<compile_context>
chip_gen: v7x
topology: tpu7x:2x2x1
jax: 0.10.2.dev20260603
libtpu: 0.0.44.dev20260713+nightly
codegen_flags: <defaults>
</compile_context>

<pallas_src>
import functools

import jax
import jax.numpy as jnp
from jax import lax
from jax.experimental import pallas as pl
from jax.experimental.pallas import tpu as pltpu
from jax.experimental.pallas import tpu_sc as plsc

N_NODES = 100000
N_GEN = 16
C = 8
M = 32
GATE = 32
N_GRAPHS = 512
OUT = 64
PAIRS = N_GEN * (N_GEN - 1) // 2

NC = 2
NS = 16
NW = NC * NS
N_PAD = 102400
CHUNK = N_PAD // NW
BINS = (N_GRAPHS + 1) * M
LANES = 16


def _sc_hist(x_hbm, b_hbm, zeros_hbm, out_hbm, x_v, b_v, hist_v):
    wid = lax.axis_index("s") * NC + lax.axis_index("c")
    base = wid * CHUNK
    pltpu.sync_copy(zeros_hbm, hist_v)
    pltpu.sync_copy(x_hbm.at[pl.ds(base, CHUNK)], x_v)
    pltpu.sync_copy(b_hbm.at[pl.ds(base, CHUNK)], b_v)
    ones = jnp.full((LANES,), 1.0, jnp.float32)

    def body(i, carry):
        xv = x_v[pl.ds(i * LANES, LANES)]
        bv = b_v[pl.ds(i * LANES, LANES)]
        k = bv * M + xv
        plsc.addupdate_scatter(hist_v, [k], ones)
        return carry

    lax.fori_loop(0, CHUNK // LANES, body, 0)
    pltpu.sync_copy(hist_v, out_hbm.at[wid])


@functools.cache
def _sc_hist_kernel():
    return pl.kernel(
        _sc_hist,
        mesh=plsc.VectorSubcoreMesh(core_axis_name="c", subcore_axis_name="s"),
        compiler_params=pltpu.CompilerParams(needs_layout_passes=False),
        out_type=jax.ShapeDtypeStruct((NW, BINS), jnp.float32),
        scratch_types=[
            pltpu.VMEM((CHUNK,), jnp.int32),
            pltpu.VMEM((CHUNK,), jnp.int32),
            pltpu.VMEM((BINS,), jnp.float32),
        ],
    )


def _tc_body(hist_ref, prior_ref, emit_ref, w1_ref, b1_ref, w2_ref, b2_ref,
             con_ref, ow_ref, ob_ref, out_ref):
    hist = jnp.sum(hist_ref[...], axis=0)
    lp = jax.nn.log_softmax(prior_ref[...], axis=1)
    le = jax.nn.log_softmax(emit_ref[...], axis=2)
    t = lp[:, :, None] + le
    tm = jnp.max(t, axis=1, keepdims=True)
    llG = jnp.log(jnp.sum(jnp.exp(t - tm), axis=1)) + tm[:, 0, :]
    def rbf(v):
        bits = lax.bitcast_convert_type(v, jnp.uint32)
        lsb = lax.shift_right_logical(bits, jnp.uint32(16)) & jnp.uint32(1)
        bits = (bits + jnp.uint32(0x7FFF) + lsb) & jnp.uint32(0xFFFF0000)
        return lax.bitcast_convert_type(bits, jnp.float32)

    bdot = lambda a, b, dims: lax.dot_general(
        rbf(a), rbf(b), dims, preferred_element_type=jnp.float32)
    h = jnp.tanh(bdot(llG, w1_ref[...], (((0,), (0,)), ((), ())))
                 + b1_ref[...])
    gate_row = bdot(w2_ref[...], h, (((0,), (1,)), ((), ()))) + b2_ref[...]
    present = hist > 0.0
    gmax = jnp.max(jnp.where(present, gate_row, -1e30), axis=1, keepdims=True)
    gmax = jnp.where(gmax < -1e29, 0.0, gmax)
    w = hist * jnp.exp(gate_row - gmax)
    denom = jnp.sum(w, axis=1, keepdims=True)
    num = jnp.sum(w[:, None, :] * llG[None, :, :], axis=2)
    r = num / (denom + 1e-16)
    std = (((1,), (0,)), ((), ()))
    c = jnp.tanh(bdot(r, con_ref[...], std))
    out_ref[...] = bdot(c, ow_ref[...], std) + ob_ref[...]


def kernel(x, edge_index, batch, prior_logits, emit_logits, gate_W1, gate_b1,
           gate_W2, gate_b2, contrastive, out_W, out_b):
    del edge_index
    pad = N_PAD - N_NODES
    x_p = jnp.concatenate([x.astype(jnp.int32), jnp.zeros((pad,), jnp.int32)])
    b_p = jnp.concatenate([batch.astype(jnp.int32),
                           jnp.full((pad,), N_GRAPHS, jnp.int32)])
    zeros = jnp.zeros((BINS,), jnp.float32)
    hist_parts = _sc_hist_kernel()(x_p, b_p, zeros)
    hist3 = hist_parts.reshape(NW, N_GRAPHS + 1, M)[:, :N_GRAPHS, :]

    out = pl.pallas_call(
        _tc_body,
        out_shape=jax.ShapeDtypeStruct((N_GRAPHS, OUT), jnp.float32),
    )(hist3, prior_logits, emit_logits, gate_W1,
      gate_b1.reshape(1, GATE), gate_W2, gate_b2.reshape(1, 1),
      contrastive, out_W, out_b.reshape(1, OUT))
    return out

# --- scband reference (transcript-rebuilt; emitter-appended) ---
"""Pipeline reference for scband-cgmn-18769007083939 (READ-ONLY COPY).

The authoritative reference and input builder live on the scoring server;
editing this copy changes nothing except your own understanding.
"""

import jax, jax.numpy as jnp
import numpy as np

N_NODES = 100000
N_EDGES = 1600000
N_GEN = 16
C = 8
M = 32
GATE = 32
N_GRAPHS = 512
OUT = 64
PAIRS = N_GEN * (N_GEN - 1) // 2


def _contrastive_matrix():
    # contrastive_matrix(n_gen): one column per unordered pair (i, j), +1 at i, -1 at j
    Mx = np.zeros((N_GEN, PAIRS), dtype=np.float32)
    p = 0
    for i in range(N_GEN):
        for j in range(i + 1, N_GEN):
            Mx[i, p] = 1.0
            Mx[j, p] = -1.0
            p += 1
    return jnp.asarray(Mx)


def setup_inputs(seed: int = 0) -> dict:
    key = jax.random.key(seed)
    ks = jax.random.split(key, 10)
    x = jax.random.randint(ks[0], (N_NODES,), 0, M)                      # categorical node labels
    edge_index = jax.random.randint(ks[1], (2, N_EDGES), 0, N_NODES)
    batch = jnp.sort(jax.random.randint(ks[2], (N_NODES,), 0, N_GRAPHS))
    # CGMM base-layer params: mixture prior over C hidden states, categorical emission over M symbols,
    # independently for each of the n_gen generative models
    prior_logits = jax.random.normal(ks[3], (N_GEN, C), dtype=jnp.float32) * 0.1
    emit_logits = jax.random.normal(ks[4], (N_GEN, C, M), dtype=jnp.float32) * 0.1
    # GlobalAttention gate nn (_GateNN): Linear(n_gen, gate_units) -> tanh -> Linear(gate_units, 1)
    gate_W1 = jax.random.normal(ks[5], (N_GEN, GATE), dtype=jnp.float32) / np.sqrt(N_GEN)
    gate_b1 = jnp.zeros((GATE,), dtype=jnp.float32)
    gate_W2 = jax.random.normal(ks[6], (GATE, 1), dtype=jnp.float32) / np.sqrt(GATE)
    gate_b2 = jnp.zeros((1,), dtype=jnp.float32)
    out_W = jax.random.normal(ks[7], (PAIRS, OUT), dtype=jnp.float32) / np.sqrt(PAIRS)
    out_b = jnp.zeros((OUT,), dtype=jnp.float32)
    contrastive = _contrastive_matrix()
    return {
        "x": x, "edge_index": edge_index, "batch": batch,
        "prior_logits": prior_logits, "emit_logits": emit_logits,
        "gate_W1": gate_W1, "gate_b1": gate_b1, "gate_W2": gate_W2, "gate_b2": gate_b2,
        "contrastive": contrastive, "out_W": out_W, "out_b": out_b,
    }


def reference(x, edge_index, batch, prior_logits, emit_logits,
              gate_W1, gate_b1, gate_W2, gate_b2, contrastive, out_W, out_b):
    # ---- CGMM base layer: per-node log-likelihood under each of n_gen mixtures ----
    log_prior = jax.nn.log_softmax(prior_logits, axis=1)            # [n_gen, C]
    log_emit = jax.nn.log_softmax(emit_logits, axis=2)              # [n_gen, C, M]
    emit_x = jnp.take(log_emit, x, axis=2)                          # gather -> [n_gen, C, N]
    ll = jax.scipy.special.logsumexp(log_prior[:, :, None] + emit_x, axis=1)  # [n_gen, N]
    ll = ll.T                                                       # [N, n_gen]
    # fw_with_att detaches the CGMM log-likelihood
    ll = jax.lax.stop_gradient(ll)
    # ---- GlobalAttention pooling per graph (segment softmax over `batch`) ----
    h = jnp.tanh(ll @ gate_W1 + gate_b1)                            # [N, GATE]
    gate = (h @ gate_W2 + gate_b2)[:, 0]                            # [N]
    gmax = jax.ops.segment_max(gate, batch, num_segments=N_GRAPHS)  # [G]
    gate = gate - gmax[batch]
    eg = jnp.exp(gate)
    denom = jax.ops.segment_sum(eg, batch, num_segments=N_GRAPHS)   # [G]
    alpha = eg / (denom[batch] + 1e-16)                             # [N]
    r = jax.ops.segment_sum(alpha[:, None] * ll, batch, num_segments=N_GRAPHS)  # [G, n_gen]
    # ---- contrastive readout + output linear ----
    r_i = r[:, None, :]                                             # [G, 1, n_gen] (single CGMM layer)
    c = jnp.tanh(r_i @ contrastive)                                 # [G, 1, PAIRS]
    c = c.reshape(c.shape[0], -1)                                   # flatten(start_dim=-2)
    return c @ out_W + out_b                                        # [G, OUT]

if __name__ == "__main__":
    import jax
    _d = setup_inputs()
    print(jax.jit(kernel)(*tuple(_d.values())))

</pallas_src>

<mosaic_0001>
#map = affine_map<(d0, d1) -> (0)>
#map1 = affine_map<(d0, d1) -> (0, 0)>
module attributes {stable_mosaic.version = 14 : i64} {
  func.func @_sc_hist(%arg0: i32, %arg1: i32, %arg2: memref<102400xi32, #tpu.memory_space<hbm>>, %arg3: memref<102400xi32, #tpu.memory_space<hbm>>, %arg4: memref<16416xf32, #tpu.memory_space<hbm>>, %arg5: memref<32x16416xf32, #tpu.memory_space<hbm>>, %arg6: memref<3200xi32, #tpu.memory_space<vmem>>, %arg7: memref<3200xi32, #tpu.memory_space<vmem>>, %arg8: memref<16416xf32, #tpu.memory_space<vmem>>) attributes {dimension_semantics = [#tpu.dimension_semantics<core_parallel>, #tpu.dimension_semantics<subcore_parallel>], iteration_bounds = array<i64: 2, 16>, scalar_prefetch = 0 : i64, scratch_operands = 3 : i64, tpu.core_type = #tpu.core_type<sc_vector_subcore>, window_params = [{transform_indices = #map}, {transform_indices = #map}, {transform_indices = #map}, {transform_indices = #map1}]} {
    %mul3A = arith.constant 2 : i32
    %mul3A_0 = arith.muli %arg1, %mul3A : i32
    %add3A = arith.addi %mul3A_0, %arg0 : i32
    %mul3A_1 = arith.constant 3200 : i32
    %mul3A_2 = arith.muli %add3A, %mul3A_1 : i32
    "tpu.region"() ({
      %run_scoped3A = tpu.sem_alloc : memref<!tpu.dma_semaphore, #tpu.memory_space<semaphore_mem>>
      tpu.enqueue_dma source(%arg4 : memref<16416xf32, #tpu.memory_space<hbm>>) target(%arg8 : memref<16416xf32, #tpu.memory_space<vmem>>) target_semaphore(%run_scoped3A : memref<!tpu.dma_semaphore, #tpu.memory_space<semaphore_mem>>)
      tpu.wait_dma2 semaphore(%run_scoped3A : memref<!tpu.dma_semaphore, #tpu.memory_space<semaphore_mem>>) src(%arg4 : memref<16416xf32, #tpu.memory_space<hbm>>) dst(%arg8 : memref<16416xf32, #tpu.memory_space<vmem>>)
      tpu.yield
    }) : () -> ()
    "tpu.region"() ({
      %run_scoped3A = tpu.sem_alloc : memref<!tpu.dma_semaphore, #tpu.memory_space<semaphore_mem>>
      %dma_start3A = tpu.memref_slice %arg2[%mul3A_2] : memref<102400xi32, #tpu.memory_space<hbm>> -> memref<3200xi32, #tpu.memory_space<hbm>>
      %dma_start3A_9 = tpu.memref_slice %arg2[%mul3A_2] : memref<102400xi32, #tpu.memory_space<hbm>> -> memref<3200xi32, #tpu.memory_space<hbm>>
      tpu.enqueue_dma source(%dma_start3A_9 : memref<3200xi32, #tpu.memory_space<hbm>>) target(%arg6 : memref<3200xi32, #tpu.memory_space<vmem>>) target_semaphore(%run_scoped3A : memref<!tpu.dma_semaphore, #tpu.memory_space<semaphore_mem>>)
      %dma_wait3A = tpu.memref_slice %arg2[%mul3A_2] : memref<102400xi32, #tpu.memory_space<hbm>> -> memref<3200xi32, #tpu.memory_space<hbm>>
      %dma_wait3A_10 = tpu.memref_slice %arg2[%mul3A_2] : memref<102400xi32, #tpu.memory_space<hbm>> -> memref<3200xi32, #tpu.memory_space<hbm>>
      tpu.wait_dma2 semaphore(%run_scoped3A : memref<!tpu.dma_semaphore, #tpu.memory_space<semaphore_mem>>) src(%dma_wait3A_10 : memref<3200xi32, #tpu.memory_space<hbm>>) dst(%arg6 : memref<3200xi32, #tpu.memory_space<vmem>>)
      tpu.yield
    }) : () -> ()
    "tpu.region"() ({
      %run_scoped3A = tpu.sem_alloc : memref<!tpu.dma_semaphore, #tpu.memory_space<semaphore_mem>>
      %dma_start3A = tpu.memref_slice %arg3[%mul3A_2] : memref<102400xi32, #tpu.memory_space<hbm>> -> memref<3200xi32, #tpu.memory_space<hbm>>
      %dma_start3A_9 = tpu.memref_slice %arg3[%mul3A_2] : memref<102400xi32, #tpu.memory_space<hbm>> -> memref<3200xi32, #tpu.memory_space<hbm>>
      tpu.enqueue_dma source(%dma_start3A_9 : memref<3200xi32, #tpu.memory_space<hbm>>) target(%arg7 : memref<3200xi32, #tpu.memory_space<vmem>>) target_semaphore(%run_scoped3A : memref<!tpu.dma_semaphore, #tpu.memory_space<semaphore_mem>>)
      %dma_wait3A = tpu.memref_slice %arg3[%mul3A_2] : memref<102400xi32, #tpu.memory_space<hbm>> -> memref<3200xi32, #tpu.memory_space<hbm>>
      %dma_wait3A_10 = tpu.memref_slice %arg3[%mul3A_2] : memref<102400xi32, #tpu.memory_space<hbm>> -> memref<3200xi32, #tpu.memory_space<hbm>>
      tpu.wait_dma2 semaphore(%run_scoped3A : memref<!tpu.dma_semaphore, #tpu.memory_space<semaphore_mem>>) src(%dma_wait3A_10 : memref<3200xi32, #tpu.memory_space<hbm>>) dst(%arg7 : memref<3200xi32, #tpu.memory_space<vmem>>)
      tpu.yield
    }) : () -> ()
    %broadcast_in_dim3A = arith.constant 1.000000e+00 : f32
    %broadcast_in_dim3A_3 = vector.broadcast %broadcast_in_dim3A : f32 to vector<16xf32>
    %scan3A = arith.constant 0 : i32
    %scan3A_4 = arith.constant 0 : i32
    %scan3A_5 = arith.constant 200 : i32
    %scan3A_6 = arith.addi %scan3A_4, %scan3A_5 : i32
    %scan3A_7 = arith.constant 1 : i32
    scf.for %scan3A_9 = %scan3A_4 to %scan3A_6 step %scan3A_7  : i32 {
      %mul3A_10 = arith.constant 16 : i32
      %mul3A_11 = arith.muli %scan3A_9, %mul3A_10 : i32
      %get3A = arith.index_cast %mul3A_11 : i32 to index
      %get3A_12 = tpu.vector_load %arg6[%get3A] {strides = array<i32>} : memref<3200xi32, #tpu.memory_space<vmem>>, vector<16xi32>,
      %mul3A_13 = arith.constant 16 : i32
      %mul3A_14 = arith.muli %scan3A_9, %mul3A_13 : i32
      %get3A_15 = arith.index_cast %mul3A_14 : i32 to index
      %get3A_16 = tpu.vector_load %arg7[%get3A_15] {strides = array<i32>} : memref<3200xi32, #tpu.memory_space<vmem>>, vector<16xi32>,
      %mul3A_17 = arith.constant 32 : i32
      %mul3A_18 = vector.broadcast %mul3A_17 : i32 to vector<16xi32>
      %mul3A_19 = arith.muli %get3A_16, %mul3A_18 : vector<16xi32>
      %add3A_20 = arith.addi %mul3A_19, %get3A_12 : vector<16xi32>
      tpu.vector_store_idx %arg8[%add3A_20], %broadcast_in_dim3A_3 {add = true} : memref<16416xf32, #tpu.memory_space<vmem>>[vector<16xi32>], vector<16xf32>,
    }
    %scan3A_8 = arith.constant 200 : i32
    "tpu.region"() ({
      %run_scoped3A = tpu.sem_alloc : memref<!tpu.dma_semaphore, #tpu.memory_space<semaphore_mem>>
      %dma_start3A = arith.constant 0 : i32
      %dma_start3A_9 = tpu.memref_slice %arg5[%add3A, %dma_start3A] : memref<32x16416xf32, #tpu.memory_space<hbm>> -> memref<1x16416xf32, #tpu.memory_space<hbm>>
      %dma_start3A_10 = tpu.memref_squeeze %dma_start3A_9 : memref<1x16416xf32, #tpu.memory_space<hbm>> -> memref<16416xf32, #tpu.memory_space<hbm>>
      %dma_start3A_11 = arith.constant 0 : i32
      %dma_start3A_12 = tpu.memref_slice %arg5[%add3A, %dma_start3A_11] : memref<32x16416xf32, #tpu.memory_space<hbm>> -> memref<1x16416xf32, #tpu.memory_space<hbm>>
      %dma_start3A_13 = tpu.memref_squeeze %dma_start3A_12 : memref<1x16416xf32, #tpu.memory_space<hbm>> -> memref<16416xf32, #tpu.memory_space<hbm>>
      tpu.enqueue_dma source(%arg8 : memref<16416xf32, #tpu.memory_space<vmem>>) target(%dma_start3A_13 : memref<16416xf32, #tpu.memory_space<hbm>>) target_semaphore(%run_scoped3A : memref<!tpu.dma_semaphore, #tpu.memory_space<semaphore_mem>>)
      %dma_wait3A = arith.constant 0 : i32
      %dma_wait3A_14 = tpu.memref_slice %arg5[%add3A, %dma_wait3A] : memref<32x16416xf32, #tpu.memory_space<hbm>> -> memref<1x16416xf32, #tpu.memory_space<hbm>>
      %dma_wait3A_15 = tpu.memref_squeeze %dma_wait3A_14 : memref<1x16416xf32, #tpu.memory_space<hbm>> -> memref<16416xf32, #tpu.memory_space<hbm>>
      %dma_wait3A_16 = arith.constant 0 : i32
      %dma_wait3A_17 = tpu.memref_slice %arg5[%add3A, %dma_wait3A_16] : memref<32x16416xf32, #tpu.memory_space<hbm>> -> memref<1x16416xf32, #tpu.memory_space<hbm>>
      %dma_wait3A_18 = tpu.memref_squeeze %dma_wait3A_17 : memref<1x16416xf32, #tpu.memory_space<hbm>> -> memref<16416xf32, #tpu.memory_space<hbm>>
      tpu.wait_dma2 semaphore(%run_scoped3A : memref<!tpu.dma_semaphore, #tpu.memory_space<semaphore_mem>>) src(%arg8 : memref<16416xf32, #tpu.memory_space<vmem>>) dst(%dma_wait3A_18 : memref<16416xf32, #tpu.memory_space<hbm>>)
      tpu.yield
    }) : () -> ()
    return
  }
}

module attributes {stable_mosaic.version = 14 : i64} {
  func.func @_tc_body(%arg0: memref<32x512x32xf32, #tpu.memory_space<vmem>>, %arg1: memref<16x8xf32, #tpu.memory_space<vmem>>, %arg2: memref<16x8x32xf32, #tpu.memory_space<vmem>>, %arg3: memref<16x32xf32, #tpu.memory_space<vmem>>, %arg4: memref<1x32xf32, #tpu.memory_space<vmem>>, %arg5: memref<32x1xf32, #tpu.memory_space<vmem>>, %arg6: memref<1x1xf32, #tpu.memory_space<vmem>>, %arg7: memref<16x120xf32, #tpu.memory_space<vmem>>, %arg8: memref<120x64xf32, #tpu.memory_space<vmem>>, %arg9: memref<1x64xf32, #tpu.memory_space<vmem>>, %arg10: memref<512x64xf32, #tpu.memory_space<vmem>>) attributes {dimension_semantics = [], scalar_prefetch = 0 : i64, scratch_operands = 0 : i64, tpu.core_type = #tpu.core_type<tc>} {
    %get3A = arith.constant 0 : index
    %get3A_0 = arith.constant 0 : index
    %get3A_1 = arith.constant 0 : index
    %get3A_2 = vector.load %arg0[%get3A, %get3A_0, %get3A_1] : memref<32x512x32xf32, #tpu.memory_space<vmem>>, vector<32x512x32xf32>
    %reduce_sum3A = arith.constant dense<0.000000e+00> : vector<512x32xf32>
    %reduce_sum3A_3 = vector.multi_reduction <add>, %get3A_2, %reduce_sum3A [0] : vector<32x512x32xf32> to vector<512x32xf32>
    %get3A_4 = arith.constant 0 : index
    %get3A_5 = arith.constant 0 : index
    %get3A_6 = vector.load %arg1[%get3A_4, %get3A_5] : memref<16x8xf32, #tpu.memory_space<vmem>>, vector<16x8xf32>
    %reduce_max3A = arith.constant dense<0xFF800000> : vector<16xf32>
    %reduce_max3A_7 = vector.multi_reduction <maximumf>, %get3A_6, %reduce_max3A [1] : vector<16x8xf32> to vector<16xf32>
    %max3A = arith.constant 0xFF800000 : f32
    %max3A_8 = vector.broadcast %max3A : f32 to vector<16xf32>
    %max3A_9 = arith.maximumf %max3A_8, %reduce_max3A_7 : vector<16xf32>
    %broadcast_in_dim3A = vector.shape_cast %max3A_9 : vector<16xf32> to vector<16x1xf32>
    %sub3A = vector.broadcast %broadcast_in_dim3A : vector<16x1xf32> to vector<16x8xf32>
    %sub3A_10 = arith.subf %get3A_6, %sub3A : vector<16x8xf32>
    %exp3A = math.exp %sub3A_10 : vector<16x8xf32>
    %reduce_sum3A_11 = arith.constant dense<0.000000e+00> : vector<16xf32>
    %reduce_sum3A_12 = vector.multi_reduction <add>, %exp3A, %reduce_sum3A_11 [1] : vector<16x8xf32> to vector<16xf32>
    %broadcast_in_dim3A_13 = vector.shape_cast %reduce_sum3A_12 : vector<16xf32> to vector<16x1xf32>
    %log3A = math.log %broadcast_in_dim3A_13 : vector<16x1xf32>
    %sub3A_14 = vector.broadcast %log3A : vector<16x1xf32> to vector<16x8xf32>
    %sub3A_15 = arith.subf %sub3A_10, %sub3A_14 : vector<16x8xf32>
    %get3A_16 = arith.constant 0 : index
    %get3A_17 = arith.constant 0 : index
    %get3A_18 = arith.constant 0 : index
    %get3A_19 = vector.load %arg2[%get3A_16, %get3A_17, %get3A_18] : memref<16x8x32xf32, #tpu.memory_space<vmem>>, vector<16x8x32xf32>
    %reduce_max3A_20 = arith.constant dense<0xFF800000> : vector<16x8xf32>
    %reduce_max3A_21 = vector.multi_reduction <maximumf>, %get3A_19, %reduce_max3A_20 [2] : vector<16x8x32xf32> to vector<16x8xf32>
    %max3A_22 = arith.constant 0xFF800000 : f32
    %max3A_23 = vector.broadcast %max3A_22 : f32 to vector<16x8xf32>
    %max3A_24 = arith.maximumf %max3A_23, %reduce_max3A_21 : vector<16x8xf32>
    %broadcast_in_dim3A_25 = vector.shape_cast %max3A_24 : vector<16x8xf32> to vector<16x8x1xf32>
    %sub3A_26 = vector.broadcast %broadcast_in_dim3A_25 : vector<16x8x1xf32> to vector<16x8x32xf32>
    %sub3A_27 = arith.subf %get3A_19, %sub3A_26 : vector<16x8x32xf32>
    %exp3A_28 = math.exp %sub3A_27 : vector<16x8x32xf32>
    %reduce_sum3A_29 = arith.constant dense<0.000000e+00> : vector<16x8xf32>
    %reduce_sum3A_30 = vector.multi_reduction <add>, %exp3A_28, %reduce_sum3A_29 [2] : vector<16x8x32xf32> to vector<16x8xf32>
    %broadcast_in_dim3A_31 = vector.shape_cast %reduce_sum3A_30 : vector<16x8xf32> to vector<16x8x1xf32>
    %log3A_32 = math.log %broadcast_in_dim3A_31 : vector<16x8x1xf32>
    %sub3A_33 = vector.broadcast %log3A_32 : vector<16x8x1xf32> to vector<16x8x32xf32>
    %sub3A_34 = arith.subf %sub3A_27, %sub3A_33 : vector<16x8x32xf32>
    %broadcast_in_dim3A_35 = vector.shape_cast %sub3A_15 : vector<16x8xf32> to vector<16x8x1xf32>
    %add3A = vector.broadcast %broadcast_in_dim3A_35 : vector<16x8x1xf32> to vector<16x8x32xf32>
    %add3A_36 = arith.addf %add3A, %sub3A_34 : vector<16x8x32xf32>
    %reduce_max3A_37 = arith.constant dense<0xFF800000> : vector<16x32xf32>
    %reduce_max3A_38 = vector.multi_reduction <maximumf>, %add3A_36, %reduce_max3A_37 [1] : vector<16x8x32xf32> to vector<16x32xf32>
    %broadcast_in_dim3A_39 = vector.shape_cast %reduce_max3A_38 : vector<16x32xf32> to vector<16x1x32xf32>
    %sub3A_40 = vector.broadcast %broadcast_in_dim3A_39 : vector<16x1x32xf32> to vector<16x8x32xf32>
    %sub3A_41 = arith.subf %add3A_36, %sub3A_40 : vector<16x8x32xf32>
    %exp3A_42 = math.exp %sub3A_41 : vector<16x8x32xf32>
    %reduce_sum3A_43 = arith.constant dense<0.000000e+00> : vector<16x32xf32>
    %reduce_sum3A_44 = vector.multi_reduction <add>, %exp3A_42, %reduce_sum3A_43 [1] : vector<16x8x32xf32> to vector<16x32xf32>
    %log3A_45 = math.log %reduce_sum3A_44 : vector<16x32xf32>
    %squeeze3A = vector.shape_cast %broadcast_in_dim3A_39 : vector<16x1x32xf32> to vector<16x32xf32>
    %add3A_46 = arith.addf %log3A_45, %squeeze3A : vector<16x32xf32>
    %get3A_47 = arith.constant 0 : index
    %get3A_48 = arith.constant 0 : index
    %get3A_49 = vector.load %arg3[%get3A_47, %get3A_48] : memref<16x32xf32, #tpu.memory_space<vmem>>, vector<16x32xf32>
    %bitcast_convert_type3A = tpu.bitcast %add3A_46 : vector<16x32xf32> -> vector<16x32xi32>
    %shift_right_logical3A = arith.constant 16 : i32
    %shift_right_logical3A_50 = vector.broadcast %shift_right_logical3A : i32 to vector<16x32xi32>
    %shift_right_logical3A_51 = arith.shrui %bitcast_convert_type3A, %shift_right_logical3A_50 : vector<16x32xi32>
    %and3A = arith.constant 1 : i32
    %and3A_52 = vector.broadcast %and3A : i32 to vector<16x32xi32>
    %and3A_53 = arith.andi %shift_right_logical3A_51, %and3A_52 : vector<16x32xi32>
    %add3A_54 = arith.constant 32767 : i32
    %add3A_55 = vector.broadcast %add3A_54 : i32 to vector<16x32xi32>
    %add3A_56 = arith.addi %bitcast_convert_type3A, %add3A_55 : vector<16x32xi32>
    %add3A_57 = arith.addi %add3A_56, %and3A_53 : vector<16x32xi32>
    %and3A_58 = arith.constant -65536 : i32
    %and3A_59 = vector.broadcast %and3A_58 : i32 to vector<16x32xi32>
    %and3A_60 = arith.andi %add3A_57, %and3A_59 : vector<16x32xi32>
    %bitcast_convert_type3A_61 = tpu.bitcast %and3A_60 : vector<16x32xi32> -> vector<16x32xf32>
    %bitcast_convert_type3A_62 = tpu.bitcast %get3A_49 : vector<16x32xf32> -> vector<16x32xi32>
    %shift_right_logical3A_63 = arith.constant 16 : i32
    %shift_right_logical3A_64 = vector.broadcast %shift_right_logical3A_63 : i32 to vector<16x32xi32>
    %shift_right_logical3A_65 = arith.shrui %bitcast_convert_type3A_62, %shift_right_logical3A_64 : vector<16x32xi32>
    %and3A_66 = arith.constant 1 : i32
    %and3A_67 = vector.broadcast %and3A_66 : i32 to vector<16x32xi32>
    %and3A_68 = arith.andi %shift_right_logical3A_65, %and3A_67 : vector<16x32xi32>
    %add3A_69 = arith.constant 32767 : i32
    %add3A_70 = vector.broadcast %add3A_69 : i32 to vector<16x32xi32>
    %add3A_71 = arith.addi %bitcast_convert_type3A_62, %add3A_70 : vector<16x32xi32>
    %add3A_72 = arith.addi %add3A_71, %and3A_68 : vector<16x32xi32>
    %and3A_73 = arith.constant -65536 : i32
    %and3A_74 = vector.broadcast %and3A_73 : i32 to vector<16x32xi32>
    %and3A_75 = arith.andi %add3A_72, %and3A_74 : vector<16x32xi32>
    %bitcast_convert_type3A_76 = tpu.bitcast %and3A_75 : vector<16x32xi32> -> vector<16x32xf32>
    %dot_general3A = arith.constant dense<0.000000e+00> : vector<32x32xf32>
    %dot_general3A_77 = tpu.matmul %bitcast_convert_type3A_61, %bitcast_convert_type3A_76, %dot_general3A {dimension_numbers = #tpu.dot_dimension_numbers<[0], [0], [1], [1], [0, 1, 1, 1], [], []>, transpose_lhs_hint = false} : vector<16x32xf32>, vector<16x32xf32>, vector<32x32xf32> -> vector<32x32xf32>
    %get3A_78 = arith.constant 0 : index
    %get3A_79 = arith.constant 0 : index
    %get3A_80 = vector.load %arg4[%get3A_78, %get3A_79] : memref<1x32xf32, #tpu.memory_space<vmem>>, vector<1x32xf32>
    %add3A_81 = vector.broadcast %get3A_80 : vector<1x32xf32> to vector<32x32xf32>
    %add3A_82 = arith.addf %dot_general3A_77, %add3A_81 : vector<32x32xf32>
    %tanh3A = math.tanh %add3A_82 : vector<32x32xf32>
    %get3A_83 = arith.constant 0 : index
    %get3A_84 = arith.constant 0 : index
    %get3A_85 = vector.load %arg5[%get3A_83, %get3A_84] : memref<32x1xf32, #tpu.memory_space<vmem>>, vector<32x1xf32>
    %bitcast_convert_type3A_86 = tpu.bitcast %get3A_85 : vector<32x1xf32> -> vector<32x1xi32>
    %shift_right_logical3A_87 = arith.constant 16 : i32
    %shift_right_logical3A_88 = vector.broadcast %shift_right_logical3A_87 : i32 to vector<32x1xi32>
    %shift_right_logical3A_89 = arith.shrui %bitcast_convert_type3A_86, %shift_right_logical3A_88 : vector<32x1xi32>
    %and3A_90 = arith.constant 1 : i32
    %and3A_91 = vector.broadcast %and3A_90 : i32 to vector<32x1xi32>
    %and3A_92 = arith.andi %shift_right_logical3A_89, %and3A_91 : vector<32x1xi32>
    %add3A_93 = arith.constant 32767 : i32
    %add3A_94 = vector.broadcast %add3A_93 : i32 to vector<32x1xi32>
    %add3A_95 = arith.addi %bitcast_convert_type3A_86, %add3A_94 : vector<32x1xi32>
    %add3A_96 = arith.addi %add3A_95, %and3A_92 : vector<32x1xi32>
    %and3A_97 = arith.constant -65536 : i32
    %and3A_98 = vector.broadcast %and3A_97 : i32 to vector<32x1xi32>
    %and3A_99 = arith.andi %add3A_96, %and3A_98 : vector<32x1xi32>
    %bitcast_convert_type3A_100 = tpu.bitcast %and3A_99 : vector<32x1xi32> -> vector<32x1xf32>
    %bitcast_convert_type3A_101 = tpu.bitcast %tanh3A : vector<32x32xf32> -> vector<32x32xi32>
    %shift_right_logical3A_102 = arith.constant 16 : i32
    %shift_right_logical3A_103 = vector.broadcast %shift_right_logical3A_102 : i32 to vector<32x32xi32>
    %shift_right_logical3A_104 = arith.shrui %bitcast_convert_type3A_101, %shift_right_logical3A_103 : vector<32x32xi32>
    %and3A_105 = arith.constant 1 : i32
    %and3A_106 = vector.broadcast %and3A_105 : i32 to vector<32x32xi32>
    %and3A_107 = arith.andi %shift_right_logical3A_104, %and3A_106 : vector<32x32xi32>
    %add3A_108 = arith.constant 32767 : i32
    %add3A_109 = vector.broadcast %add3A_108 : i32 to vector<32x32xi32>
    %add3A_110 = arith.addi %bitcast_convert_type3A_101, %add3A_109 : vector<32x32xi32>
    %add3A_111 = arith.addi %add3A_110, %and3A_107 : vector<32x32xi32>
    %and3A_112 = arith.constant -65536 : i32
    %and3A_113 = vector.broadcast %and3A_112 : i32 to vector<32x32xi32>
    %and3A_114 = arith.andi %add3A_111, %and3A_113 : vector<32x32xi32>
    %bitcast_convert_type3A_115 = tpu.bitcast %and3A_114 : vector<32x32xi32> -> vector<32x32xf32>
    %dot_general3A_116 = arith.constant dense<0.000000e+00> : vector<1x32xf32>
    %dot_general3A_117 = tpu.matmul %bitcast_convert_type3A_100, %bitcast_convert_type3A_115, %dot_general3A_116 {dimension_numbers = #tpu.dot_dimension_numbers<[0], [1], [1], [0], [0, 1, 1, 0], [], []>, transpose_lhs_hint = false} : vector<32x1xf32>, vector<32x32xf32>, vector<1x32xf32> -> vector<1x32xf32>
    %get3A_118 = arith.constant 0 : index
    %get3A_119 = arith.constant 0 : index
    %get3A_120 = vector.load %arg6[%get3A_118, %get3A_119] : memref<1x1xf32, #tpu.memory_space<vmem>>, vector<1x1xf32>
    %add3A_121 = vector.broadcast %get3A_120 : vector<1x1xf32> to vector<1x32xf32>
    %add3A_122 = arith.addf %dot_general3A_117, %add3A_121 : vector<1x32xf32>
    %gt3A = arith.constant 0.000000e+00 : f32
    %gt3A_123 = vector.broadcast %gt3A : f32 to vector<512x32xf32>
    %gt3A_124 = arith.cmpf ogt, %reduce_sum3A_3, %gt3A_123 : vector<512x32xf32>
    %jit3A = arith.constant -1.000000e+30 : f32
    %broadcast_in_dim3A_125 = vector.shape_cast %add3A_122 : vector<1x32xf32> to vector<1x32xf32>
    %broadcast_in_dim3A_126 = vector.broadcast %broadcast_in_dim3A_125 : vector<1x32xf32> to vector<512x32xf32>
    %broadcast_in_dim3A_127 = vector.broadcast %jit3A : f32 to vector<512x32xf32>
    %select_n3A = arith.select %gt3A_124, %broadcast_in_dim3A_126, %broadcast_in_dim3A_127 : vector<512x32xi1>, vector<512x32xf32>
    %reduce_max3A_128 = arith.constant dense<0xFF800000> : vector<512xf32>
    %reduce_max3A_129 = vector.multi_reduction <maximumf>, %select_n3A, %reduce_max3A_128 [1] : vector<512x32xf32> to vector<512xf32>
    %broadcast_in_dim3A_130 = vector.shape_cast %reduce_max3A_129 : vector<512xf32> to vector<512x1xf32>
    %lt3A = arith.constant -1.000000e+29 : f32
    %lt3A_131 = vector.broadcast %lt3A : f32 to vector<512x1xf32>
    %lt3A_132 = arith.cmpf olt, %broadcast_in_dim3A_130, %lt3A_131 : vector<512x1xf32>
    %jit3A_133 = arith.constant 0.000000e+00 : f32
    %broadcast_in_dim3A_134 = vector.broadcast %jit3A_133 : f32 to vector<512x1xf32>
    %select_n3A_135 = arith.select %lt3A_132, %broadcast_in_dim3A_134, %broadcast_in_dim3A_130 : vector<512x1xi1>, vector<512x1xf32>
    %sub3A_136 = vector.broadcast %add3A_122 : vector<1x32xf32> to vector<512x32xf32>
    %sub3A_137 = vector.broadcast %select_n3A_135 : vector<512x1xf32> to vector<512x32xf32>
    %sub3A_138 = arith.subf %sub3A_136, %sub3A_137 : vector<512x32xf32>
    %exp3A_139 = math.exp %sub3A_138 : vector<512x32xf32>
    %mul3A = arith.mulf %reduce_sum3A_3, %exp3A_139 : vector<512x32xf32>
    %reduce_sum3A_140 = arith.constant dense<0.000000e+00> : vector<512xf32>
    %reduce_sum3A_141 = vector.multi_reduction <add>, %mul3A, %reduce_sum3A_140 [1] : vector<512x32xf32> to vector<512xf32>
    %broadcast_in_dim3A_142 = vector.shape_cast %reduce_sum3A_141 : vector<512xf32> to vector<512x1xf32>
    %broadcast_in_dim3A_143 = vector.shape_cast %mul3A : vector<512x32xf32> to vector<512x1x32xf32>
    %broadcast_in_dim3A_144 = vector.shape_cast %add3A_46 : vector<16x32xf32> to vector<1x16x32xf32>
    %mul3A_145 = vector.broadcast %broadcast_in_dim3A_143 : vector<512x1x32xf32> to vector<512x16x32xf32>
    %mul3A_146 = vector.broadcast %broadcast_in_dim3A_144 : vector<1x16x32xf32> to vector<512x16x32xf32>
    %mul3A_147 = arith.mulf %mul3A_145, %mul3A_146 : vector<512x16x32xf32>
    %reduce_sum3A_148 = arith.constant dense<0.000000e+00> : vector<512x16xf32>
    %reduce_sum3A_149 = vector.multi_reduction <add>, %mul3A_147, %reduce_sum3A_148 [2] : vector<512x16x32xf32> to vector<512x16xf32>
    %add3A_150 = arith.constant 1.000000e-16 : f32
    %add3A_151 = vector.broadcast %add3A_150 : f32 to vector<512x1xf32>
    %add3A_152 = arith.addf %broadcast_in_dim3A_142, %add3A_151 : vector<512x1xf32>
    %div3A = vector.broadcast %add3A_152 : vector<512x1xf32> to vector<512x16xf32>
    %div3A_153 = arith.divf %reduce_sum3A_149, %div3A : vector<512x16xf32>
    %get3A_154 = arith.constant 0 : index
    %get3A_155 = arith.constant 0 : index
    %get3A_156 = vector.load %arg7[%get3A_154, %get3A_155] : memref<16x120xf32, #tpu.memory_space<vmem>>, vector<16x120xf32>
    %bitcast_convert_type3A_157 = tpu.bitcast %div3A_153 : vector<512x16xf32> -> vector<512x16xi32>
    %shift_right_logical3A_158 = arith.constant 16 : i32
    %shift_right_logical3A_159 = vector.broadcast %shift_right_logical3A_158 : i32 to vector<512x16xi32>
    %shift_right_logical3A_160 = arith.shrui %bitcast_convert_type3A_157, %shift_right_logical3A_159 : vector<512x16xi32>
    %and3A_161 = arith.constant 1 : i32
    %and3A_162 = vector.broadcast %and3A_161 : i32 to vector<512x16xi32>
    %and3A_163 = arith.andi %shift_right_logical3A_160, %and3A_162 : vector<512x16xi32>
    %add3A_164 = arith.constant 32767 : i32
    %add3A_165 = vector.broadcast %add3A_164 : i32 to vector<512x16xi32>
    %add3A_166 = arith.addi %bitcast_convert_type3A_157, %add3A_165 : vector<512x16xi32>
    %add3A_167 = arith.addi %add3A_166, %and3A_163 : vector<512x16xi32>
    %and3A_168 = arith.constant -65536 : i32
    %and3A_169 = vector.broadcast %and3A_168 : i32 to vector<512x16xi32>
    %and3A_170 = arith.andi %add3A_167, %and3A_169 : vector<512x16xi32>
    %bitcast_convert_type3A_171 = tpu.bitcast %and3A_170 : vector<512x16xi32> -> vector<512x16xf32>
    %bitcast_convert_type3A_172 = tpu.bitcast %get3A_156 : vector<16x120xf32> -> vector<16x120xi32>
    %shift_right_logical3A_173 = arith.constant 16 : i32
    %shift_right_logical3A_174 = vector.broadcast %shift_right_logical3A_173 : i32 to vector<16x120xi32>
    %shift_right_logical3A_175 = arith.shrui %bitcast_convert_type3A_172, %shift_right_logical3A_174 : vector<16x120xi32>
    %and3A_176 = arith.constant 1 : i32
    %and3A_177 = vector.broadcast %and3A_176 : i32 to vector<16x120xi32>
    %and3A_178 = arith.andi %shift_right_logical3A_175, %and3A_177 : vector<16x120xi32>
    %add3A_179 = arith.constant 32767 : i32
    %add3A_180 = vector.broadcast %add3A_179 : i32 to vector<16x120xi32>
    %add3A_181 = arith.addi %bitcast_convert_type3A_172, %add3A_180 : vector<16x120xi32>
    %add3A_182 = arith.addi %add3A_181, %and3A_178 : vector<16x120xi32>
    %and3A_183 = arith.constant -65536 : i32
    %and3A_184 = vector.broadcast %and3A_183 : i32 to vector<16x120xi32>
    %and3A_185 = arith.andi %add3A_182, %and3A_184 : vector<16x120xi32>
    %bitcast_convert_type3A_186 = tpu.bitcast %and3A_185 : vector<16x120xi32> -> vector<16x120xf32>
    %dot_general3A_187 = arith.constant dense<0.000000e+00> : vector<512x120xf32>
    %dot_general3A_188 = tpu.matmul %bitcast_convert_type3A_171, %bitcast_convert_type3A_186, %dot_general3A_187 {dimension_numbers = #tpu.dot_dimension_numbers<[1], [0], [0], [1], [0, 0, 1, 1], [], []>, transpose_lhs_hint = false} : vector<512x16xf32>, vector<16x120xf32>, vector<512x120xf32> -> vector<512x120xf32>
    %tanh3A_189 = math.tanh %dot_general3A_188 : vector<512x120xf32>
    %get3A_190 = arith.constant 0 : index
    %get3A_191 = arith.constant 0 : index
    %get3A_192 = vector.load %arg8[%get3A_190, %get3A_191] : memref<120x64xf32, #tpu.memory_space<vmem>>, vector<120x64xf32>
    %bitcast_convert_type3A_193 = tpu.bitcast %tanh3A_189 : vector<512x120xf32> -> vector<512x120xi32>
    %shift_right_logical3A_194 = arith.constant 16 : i32
    %shift_right_logical3A_195 = vector.broadcast %shift_right_logical3A_194 : i32 to vector<512x120xi32>
    %shift_right_logical3A_196 = arith.shrui %bitcast_convert_type3A_193, %shift_right_logical3A_195 : vector<512x120xi32>
    %and3A_197 = arith.constant 1 : i32
    %and3A_198 = vector.broadcast %and3A_197 : i32 to vector<512x120xi32>
    %and3A_199 = arith.andi %shift_right_logical3A_196, %and3A_198 : vector<512x120xi32>
    %add3A_200 = arith.constant 32767 : i32
    %add3A_201 = vector.broadcast %add3A_200 : i32 to vector<512x120xi32>
    %add3A_202 = arith.addi %bitcast_convert_type3A_193, %add3A_201 : vector<512x120xi32>
    %add3A_203 = arith.addi %add3A_202, %and3A_199 : vector<512x120xi32>
    %and3A_204 = arith.constant -65536 : i32
    %and3A_205 = vector.broadcast %and3A_204 : i32 to vector<512x120xi32>
    %and3A_206 = arith.andi %add3A_203, %and3A_205 : vector<512x120xi32>
    %bitcast_convert_type3A_207 = tpu.bitcast %and3A_206 : vector<512x120xi32> -> vector<512x120xf32>
    %bitcast_convert_type3A_208 = tpu.bitcast %get3A_192 : vector<120x64xf32> -> vector<120x64xi32>
    %shift_right_logical3A_209 = arith.constant 16 : i32
    %shift_right_logical3A_210 = vector.broadcast %shift_right_logical3A_209 : i32 to vector<120x64xi32>
    %shift_right_logical3A_211 = arith.shrui %bitcast_convert_type3A_208, %shift_right_logical3A_210 : vector<120x64xi32>
    %and3A_212 = arith.constant 1 : i32
    %and3A_213 = vector.broadcast %and3A_212 : i32 to vector<120x64xi32>
    %and3A_214 = arith.andi %shift_right_logical3A_211, %and3A_213 : vector<120x64xi32>
    %add3A_215 = arith.constant 32767 : i32
    %add3A_216 = vector.broadcast %add3A_215 : i32 to vector<120x64xi32>
    %add3A_217 = arith.addi %bitcast_convert_type3A_208, %add3A_216 : vector<120x64xi32>
    %add3A_218 = arith.addi %add3A_217, %and3A_214 : vector<120x64xi32>
    %and3A_219 = arith.constant -65536 : i32
    %and3A_220 = vector.broadcast %and3A_219 : i32 to vector<120x64xi32>
    %and3A_221 = arith.andi %add3A_218, %and3A_220 : vector<120x64xi32>
    %bitcast_convert_type3A_222 = tpu.bitcast %and3A_221 : vector<120x64xi32> -> vector<120x64xf32>
    %dot_general3A_223 = arith.constant dense<0.000000e+00> : vector<512x64xf32>
    %dot_general3A_224 = tpu.matmul %bitcast_convert_type3A_207, %bitcast_convert_type3A_222, %dot_general3A_223 {dimension_numbers = #tpu.dot_dimension_numbers<[1], [0], [0], [1], [0, 0, 1, 1], [], []>, transpose_lhs_hint = false} : vector<512x120xf32>, vector<120x64xf32>, vector<512x64xf32> -> vector<512x64xf32>
    %get3A_225 = arith.constant 0 : index
    %get3A_226 = arith.constant 0 : index
    %get3A_227 = vector.load %arg9[%get3A_225, %get3A_226] : memref<1x64xf32, #tpu.memory_space<vmem>>, vector<1x64xf32>
    %add3A_228 = vector.broadcast %get3A_227 : vector<1x64xf32> to vector<512x64xf32>
    %add3A_229 = arith.addf %dot_general3A_224, %add3A_228 : vector<512x64xf32>
    %swap3A = arith.constant 0 : index
    %swap3A_230 = arith.constant 0 : index
    %swap3A_231 = vector.load %arg10[%swap3A, %swap3A_230] : memref<512x64xf32, #tpu.memory_space<vmem>>, vector<512x64xf32>
    tpu.vector_store %arg10[%swap3A, %swap3A_230], %add3A_229 {strides = array<i32>} : memref<512x64xf32, #tpu.memory_space<vmem>>, vector<512x64xf32>,
    return
  }
}

</mosaic_0001>

<sc_bundles>
// kernel: kernel.4.cloned.1.call-start
scs
__scs_entry_jumppad:
0x0: {  	(pc) =	sbr.rel $0x88, $3  }
0x1: {  	(tag) =	ssettag $0x0;
	lr =	simm.s32 $0x1  }
0x2: {  	[smem:$0x3F96] =	sst lr;
	_ =	strace $0xD0000000  }
0x3: {  	_ = 	snop  }
0x4: {  	_ = 	snop  }
0x5: {  	_ = 	snop  }
0x6: {  	_ = 	snop  }
0x7: {  	_ = 	snop  }
__scs_overlays_trampoline_lowered:
0x8: {  	[smem:$0x3FA5] =	sst s0  }
0x9: {  	[smem:$0x3FA6] =	sst s1  }
0xa: {  	[smem:$0x3FA7] =	sst s2  }
0xb: {  	[smem:$0x3FA8] =	sst s3  }
0xc: {  	[smem:$0x3FA9] =	sst s4  }
0xd: {  	[smem:$0x3FAA] =	sst s5  }
0xe: {  	[smem:$0x3FAB] =	sst s6  }
0xf: {  	[smem:$0x3FAC] =	sst s7  }
0x10: {  	[smem:$0x3FAD] =	sst s8  }
0x11: {  	[smem:$0x3FAE] =	sst s9;
	s0 =	simm.s32 @!p0 $0x0  }
0x12: {  	s1 =	sld [smem:$0x3F94];
	s0 =	simm.s32 @p0 $0x1  }
0x13: {  	[smem:$0x3FAF] =	sst s0;
	s0 =	simm.s32 @!p1 $0x0  }
0x14: {  	s2 =	sld [smem:$0x3F93];
	s0 =	simm.s32 @p1 $0x1  }
0x15: {  	[smem:$0x3FB0] =	sst s0;
	s0 =	simm.s32 @!p2 $0x0  }
0x16: {  	s3 =	sld [smem:$0x3FDB];
	s0 =	simm.s32 @p2 $0x1  }
0x17: {  	s4 =	simm.s32 $0x1BF5;
	[smem:$0x3FB2] =	sst s0  }
0x18: {  	s0 =	sld [smem:$0x3F95];
	_ =	swait.ge [sflag:s4], $0x0  }
0x19: {  	s7 =	sld [smem:$0x3F96]  }
0x1a: {  	s8 =	sadd.s32 $0xFFFFE003, lr  }
0x1b: {  	s9 =	sadd.s32 $0xFFFFFEF7, lr;
	s5 =	simm.s32 $0xFFFFFFFF;
	p2 =	slt.u32 s8, $0xFFFFF086  }
0x1c: {  	p1 =	slt.u32 s9, $0xF7A;
	s5 =	simm.s32 @!p2 $0x0  }
0x1d: {  	s5 =	simm.s32 @p1 $0x1;
	p0 =	seq.s32 s7, s2  }
0x1e: {  	s7 =	smul.u32 @!p0 $0xF7A, s2;
	p2 =	seq.s32 @!p0 s5, $0x0  }
0x1f: {  	s9 =	smul.u32 $0xF7A, s1;
	s8 =	simm.s32 @!p0 $0x1BF5;
	p2 =	por !p2, p0  }
0x20: {  	[sflag:s8] =	ssyncset.s32 @!p0 $0xFFFFF086;
	s6 =	sadd.s32 @!p0 s3, s7;
	s7 =	simm.s32 @!p0 $0x108  }
0x21: {  	s3 =	sadd.s32 s3, s9;
	s6 =	sadd.s32 @!p0 $0x88, s6;
	s7 =	simm.s32 @p2 $0x1082  }
0x22: {  	[simem:s7], [sflag:s8] =	dma.local @!p0 [hbm:s6], $0xF7A  }
0x23: {  	s9 =	sor.u32 $0xD0000000, s2;
	s6 =	simm.s32 $0x108;
	_ =	swait.ge @!p0 [sflag:s8], $0x0  }
0x24: {  	s3 =	sadd.s32 $0x88, s3;
	s6 =	simm.s32 @!p1 $0x1082;
	[sflag:s4] =	ssyncset.s32 $0xFFFFF086  }
0x25: {  	[simem:s6], [sflag:s4] =	dma.local [hbm:s3], $0xF7A  }
0x26: {  	[smem:$0x3F96] =	sst s1;
	(tag) =	ssettag s2;
	_ =	strace s9  }
0x27: {  	s1 =	sld [smem:$0x3FA6]  }
0x28: {  	s2 =	sld [smem:$0x3FA7]  }
0x29: {  	s4 =	sld [smem:$0x3FA9]  }
0x2a: {  	p0 =	seq.s32 s5, $0x0;
	s5 =	sld [smem:$0x3FAA]  }
0x2b: {  	s6 =	sld [smem:$0x3FAB]  }
0x2c: {  	s7 =	sld [smem:$0x3FAC]  }
0x2d: {  	s3 =	simm.s32 $0x108;
	s8 =	sld [smem:$0x3FAD]  }
0x2e: {  	s3 =	simm.s32 @!p0 $0x1082;
	s9 =	sld [smem:$0x3FAE]  }
0x2f: {  	lr =	sadd.s32 s0, s3;
	s0 =	sld [smem:$0x3FA5]  }
0x30: {  	s3 =	sld [smem:$0x3FA8]  }
0x31: {  	[smem:$0x3FB1] =	sst s10  }
0x32: {  	s10 =	sld [smem:$0x3FAF];
	_ =	sdelay $0x3  }
0x33: {  	p0 =	seq.s32 s10, $0x1;
	s10 =	sld [smem:$0x3FB1];
	_ =	sdelay $0x3  }
0x34: {  	[smem:$0x3FB1] =	sst s10  }
0x35: {  	s10 =	sld [smem:$0x3FB0];
	_ =	sdelay $0x3  }
0x36: {  	p1 =	seq.s32 s10, $0x1;
	s10 =	sld [smem:$0x3FB1];
	_ =	sdelay $0x3  }
0x37: {  	[smem:$0x3FB1] =	sst s10  }
0x38: {  	s10 =	sld [smem:$0x3FB2]  }
0x39: {  	_ = 	snop;
	(pc) =	sbr.ind lr, $3  }
0x3a: {  	_ = 	snop  }
0x3b: {  	_ = 	snop  }
0x3c: {  	p2 =	seq.s32 s10, $0x1;
	s10 =	sld [smem:$0x3FB1]  }
0x3d: {  	_ =	shalt  }
0x3e: {  	_ =	shalt  }
0x3f: {  	_ =	shalt  }
0x40: {  	_ =	shalt  }
0x41: {  	_ =	shalt  }
0x42: {  	_ =	shalt  }
0x43: {  	_ =	shalt  }
0x44: {  	_ =	shalt  }
0x45: {  	_ =	shalt  }
0x46: {  	_ =	shalt  }
0x47: {  	_ =	shalt  }
0x48: {  	_ =	shalt  }
0x49: {  	_ =	shalt  }
0x4a: {  	_ =	shalt  }
0x4b: {  	_ =	shalt  }
0x4c: {  	_ =	shalt  }
0x4d: {  	_ =	shalt  }
0x4e: {  	_ =	shalt  }
0x4f: {  	_ =	shalt  }
0x50: {  	_ =	shalt  }
0x51: {  	_ =	shalt  }
0x52: {  	_ =	shalt  }
0x53: {  	_ =	shalt  }
0x54: {  	_ =	shalt  }
0x55: {  	_ =	shalt  }
0x56: {  	_ =	shalt  }
0x57: {  	_ =	shalt  }
0x58: {  	_ =	shalt  }
0x59: {  	_ =	shalt  }
0x5a: {  	_ =	shalt  }
0x5b: {  	_ =	shalt  }
0x5c: {  	_ =	shalt  }
0x5d: {  	_ =	shalt  }
0x5e: {  	_ =	shalt  }
0x5f: {  	_ =	shalt  }
0x60: {  	_ =	shalt  }
0x61: {  	_ =	shalt  }
0x62: {  	_ =	shalt  }
0x63: {  	_ =	shalt  }
0x64: {  	_ =	shalt  }
0x65: {  	_ =	shalt  }
0x66: {  	_ =	shalt  }
0x67: {  	_ =	shalt  }
0x68: {  	_ =	shalt  }
0x69: {  	_ =	shalt  }
0x6a: {  	_ =	shalt  }
0x6b: {  	_ =	shalt  }
0x6c: {  	_ =	shalt  }
0x6d: {  	_ =	shalt  }
0x6e: {  	_ =	shalt  }
0x6f: {  	_ =	shalt  }
0x70: {  	_ =	shalt  }
0x71: {  	_ =	shalt  }
0x72: {  	_ =	shalt  }
0x73: {  	_ =	shalt  }
0x74: {  	_ =	shalt  }
0x75: {  	_ =	shalt  }
0x76: {  	_ =	shalt  }
0x77: {  	_ =	shalt  }
0x78: {  	_ =	shalt  }
0x79: {  	_ =	shalt  }
0x7a: {  	_ =	shalt  }
0x7b: {  	_ =	shalt  }
0x7c: {  	_ =	shalt  }
0x7d: {  	_ =	shalt  }
0x7e: {  	_ =	shalt  }
0x7f: {  	_ =	shalt  }
0x80: {  	_ =	shalt  }
0x81: {  	_ =	shalt  }
0x82: {  	_ =	shalt  }
0x83: {  	_ =	shalt  }
0x84: {  	_ =	shalt  }
0x85: {  	_ =	shalt  }
0x86: {  	_ =	shalt  }
0x87: {  	_ =	shalt  }
.Lfunc_end0:
.L_simem_size_0:
called_computation_lowered:
.L_overlay_start_0:
0x88: {  	s2 =	sld [smem:$0x3FD9]  }
0x89: {  	s3 =	sld [smem:$0x3FFE];
	_ =	sdelay $0x1  }
0x8a: {  	s1 =	srdreg.scid  }
0x8b: {  	s0 =	sand.u32 $0x1, s1  }
0x8c: {  	s17 =	sshll.u32 s0, $0xA;
	s2 =	sadd.s32 s3, s2  }
0x8d: {  	s2 =	sadd.s32 s2, s17  }
0x8e: {  	[smem:$0x3FBD] =	sst s2  }
0x8f: {  	_ = 	snop  }
0x90: {  	s2 =	sld [smem:$0x3FD0];
	(tm) =	ssettm $0x1  }
0x91: {  	s18 =	sld [smem:$0x3FFB];
	_ =	sdelay $0x3  }
0x92: {  	_ =	strace s18  }
0x93: {  	s3 =	sld [smem:$0x3FFC];
	_ =	sdelay $0x3  }
0x94: {  	_ =	strace s3  }
0x95: {  	s3 =	sld [smem:$0x3FFD];
	_ =	sdelay $0x3  }
0x96: {  	_ =	strace s3  }
0x97: {  	_ =	strace $0x8FFFFFFF  }
0x98: {  	s19 =	sld [smem:$0x3FDB];
	_ =	sdelay $0x1  }
0x99: {  	s4 =	simm.s32 $_scs_section_size  }
0x9a: {  	s5 =	simm.s32 $_size__tile_overlayer_lowered;
	s6 =	simm.s32 $_tile_overlayer_lowered  }
0x9b: {  	s22 =	simm.s32 $0x1BFF;
	s21 =	sshll.u32 s6, $0x1;
	s3 =	sadd.s32 s4, s19  }
0x9c: {  	s7 =	simm.s32 $0x0;
	s20 =	sshll.u32 s5, $0x1;
	s5 =	sadd.s32 s21, s3  }
0x9d: {  	[timem:s7], [sflag:s22] =	dma.local [hbm:s5], s20  }
0x9e: {  	_ =	swait.ge [sflag:s22], s20  }
0x9f: {  	s4 =	ssub.s32 $0x0, s20;
	[sflag:s22] =	ssyncset.done $0x0  }
0xa0: {  	[sflag:s22] =	ssyncadd.s32 s4;
	_ =	sdelay $0x1  }
0xa1: {  	s23 =	simm.s32 $0x1B8B  }
0xa2: {  	_ =	swait.ge [sflag:s23], $0x1  }
0xa3: {  	[sflag:s23] =	ssyncset.done $0x0  }
0xa4: {  	s25 =	simm.s32 $0x1B8E;
	s24 =	sld [smem:$0x3FFE];
	[sflag:s23] =	ssyncadd.s32 $0xFFFFFFFF  }
0xa5: {  	s26 =	simm.s32 $execute0_lowered;
	[smem:$0x3FD2] =	sst s25  }
0xa6: {  	s5 =	sshll.u32 s26, $0x1;
	_ =	strace $0x80000046;
	[dreg:$0x1] =	wrdreg $0xFFFFFFFF  }
0xa7: {  	s28 =	simm.s32 $_size_execute0_lowered;
	s3 =	sadd.s32 s3, s5;
	[dreg:$0x0] =	wrdreg $0x0  }
0xa8: {  	s5 =	sshll.u32 s28, $0x1;
	[dreg:$0x2] =	wrdreg s3  }
0xa9: {  	[dreg:$0x3] =	wrdreg s5  }
0xaa: {  	[dreg:$0x4] =	wrdreg $0xC0  }
0xab: {  	_ =	task [dreg:s7], $0x5FFFF  }
0xac: {  	[dreg:$0x1] =	wrdreg $0xFFFFFFFF  }
0xad: {  	[dreg:$0x0] =	wrdreg $0x60  }
0xae: {  	[dreg:$0x2] =	wrdreg s24  }
0xaf: {  	[dreg:$0x3] =	wrdreg s2  }
0xb0: {  	[dreg:$0x4] =	wrdreg $0x9  }
0xb1: {  	_ =	task.clear_ibuf [dreg:s7], $0x5FFFF;
	_ =	strace $0x90000046  }
0xb2: {  	s29 =	simm.s32 $0x9;
	_ =	strace $0x80000048  }
0xb3: {  	_ =	swait.ge [sflag:s29], $0x1  }
0xb4: {  	[sflag:s29] =	ssyncadd.s32 $0xFFFFFFFF  }
0xb5: {  	_ =	strace $0x90000048  }
0xb6: {  	_ =	sfence  }
0xb7: {  	s30 =	sld [smem:$0x0];
	_ =	sdelay $0x2  }
0xb8: {  	s31 =	sshll.u32 s1, $0xD;
	s1 =	sshrl.u32 s1, $0x2  }
0xb9: {  	s3 =	sand.u32 $0x4000, s31;
	s1 =	sadd.s32 s1, s30  }
0xba: {  	s0 =	sor.u32 s3, s0;
	s1 =	sshll.u32 s1, $0x11  }
0xbb: {  	s0 =	sor.u32 s1, s0  }
0xbc: {  	s0 =	sadd.s32 $0x8F2B, s0  }
0xbd: {  	[sflag:s0] =	ssyncadd.remote.s32 $0x1  }
0xbe: {  	_ =	sfence.sel $0xFFFF  }
0xbf: {  	[dreg:$0x0] =	wrdreg $0xFFFFFFFF;
	(pc) =	sbr.abs _section_cstart, $3  }
0xc0: {  	[dreg:$0x1] =	wrdreg $0xFFFFFFFF  }
0xc1: {  	_ =	task.clear_ibuf [dreg:s7], $0x2FFFF;
	_ =	strace $0x9FFFFFFF  }
0xc2: {  	(tm) =	ssettm $0x7FFFFFFF  }
0xc3: {  	_ =	shalt  }
tec
execute0_lowered:
.L_overlay_start_1:
0x0: {  	(tag) =	ssettag $0x1  }
0x1: {  	s4 =	rddreg [dreg:$0x0]  }
0x2: {  	s1 =	srdreg.scid;
	s0 =	stileid.u32  }
0x3: {  	s2 =	rddreg [dreg:$0x1];
	s9 =	simm.s32 $0x1;
	s10 =	simm.s32 $0xC80  }
0x4: {  	s11 =	simm.s32 $0x80;
	s12 =	simm.s32 $0x400;
	s13 =	simm.s32 $0x0  }
0x5: {  	s5 =	sand.u32 $0x1, s1;
	s3 =	sshll.u32 s0, $0x1;
	s1 =	rddreg [dreg:$0x2]  }
0x6: {  	s7 =	sshrl.u32 s0, $0x2;
	s6 =	sor.u32 s5, s3;
	s3 =	simm.s32 $0x0  }
0x7: {  	s7 =	smul.u32 $0x20400, s7;
	s5 =	ssub.s32 $0x2, s5;
	s8 =	sshll.u32 s6, $0x7  }
0x8: {  	[smem:$0x7FF] =	sst s3;
	s6 =	smul.u32 $0x190, s6;
	s8 =	sand.u32 $0x380, s8  }
0x9: {  	s31 =	sshrl.u32 s5, $0x1;
	_ =	strace $0x80000047;
	s7 =	sor.u32 s7, s8  }
0xa: {  	s6 =	sadd.s32 s6, s4;
	s8 =	ssub.s32 s5, s31;
	s7 =	sshrl.u32 s7, $0x3  }
0xb: {  	s5 =	sadd.s32 $0x4600, s6;
	s7 =	sadd.s32 s7, s4;
	s4 =	sadd.s32 $0x1400, s6  }
0xc: {  	v0 =	vimm.f32 $1.000000000e+00;
	s6 =	sadd.s32 $0x7800, s7;
	s7 =	smax.u32 s8, $0x1;
	s8 =	simm.s32 $0x1900  }
.LBB2_1:
0xd: {  	[tilespmem:s8], [sflag:$0x1] =	stream.linear.gather [hbm4b:s2+s3], $0x4080, $0x38;
	[tilespmem:$0x5980] =	vst v63  }
0xe: {  	_ =	swait.ge [sflag:s9], $0x4080  }
0xf: {  	[sflag:s9] =	ssyncset.done $0x0  }
0x10: {  	[sflag:s9] =	ssyncadd.s32 $0xFFFFBF80  }
0x11: {  	[tilespmem:s3], [sflag:$0x1] =	stream.linear.gather [hbm4b:s4+s3], $0xC80, $0x38;
	[tilespmem:$0x5980] =	vst v63  }
0x12: {  	_ =	swait.ge [sflag:s9], $0xC80  }
0x13: {  	[sflag:s9] =	ssyncset.done $0x0  }
0x14: {  	[sflag:s9] =	ssyncadd.s32 $0xFFFFF380  }
0x15: {  	[tilespmem:s10], [sflag:$0x1] =	stream.linear.gather [hbm4b:s5+s3], $0xC80, $0x38;
	[tilespmem:$0x5980] =	vst v63  }
0x16: {  	_ =	swait.ge [sflag:s9], $0xC80  }
0x17: {  	[sflag:s9] =	ssyncset.done $0x0  }
0x18: {  	s15 =	simm.s32 $0x0;
	s14 =	simm.s32 $0x40;
	[sflag:s9] =	ssyncadd.s32 $0xFFFFF380  }
.LBB2_2:
0x19: {  	p0 =	sne.s32 s14, $0x31C0;
	v1 =	vld [tilespmem:s15+$0xC80]  }
0x1a: {  	v2 =	vld [tilespmem:s15+$0x0];
	_ =	sdelay $0x3  }
0x1b: {  	v1 =	vshll.u32 v1, $0x5  }
0x1c: {  	v1 =	vadd.s32 v2, v1  }
.Ltmp0:
0x1d: {  	(pc) =	sbr.rel @p0 .LBB2_2-.Ltmp0, $2  }
0x1e: {  	_ =	sdelay $0x2  }
0x1f: {  	s15 =	sshra.s32 s14, $0x2;
	s14 =	sadd.s32 $0x40, s14;
	[tilespmem:v1+s8+$0x0] =	vst.idx.add.f32.msk $0xffff, v0  }
0x20: {  	v1 =	vld [tilespmem:s15+$0xC80]  }
0x21: {  	v2 =	vld [tilespmem:s15+$0x0];
	_ =	sdelay $0x3  }
0x22: {  	v1 =	vshll.u32 v1, $0x5  }
0x23: {  	v1 =	vadd.s32 v2, v1;
	_ =	sdelay $0x2  }
0x24: {  	s13 =	sadd.s32 $0x1, s13  }
0x25: {  	p0 =	sne.s32 s13, s7  }
.Ltmp1:
0x26: {  	[tilespmem:v1+s8+$0x0] =	vst.idx.add.f32.msk $0xffff, v0;
	(pc) =	sbr.rel @p0 .LBB2_1-.Ltmp1, $4  }
0x27: {  	[hbm4b:s6+s11] =	stream.strided.scatter [tilespmem:s8], [sflag:$0x1], $0x4080, s12, s11, $0x38;
	[tilespmem:$0x5980] =	vst v63  }
0x28: {  	_ =	swait.ge [sflag:s9], $0x4080  }
0x29: {  	[sflag:s9] =	ssyncset.done $0x0  }
0x2a: {  	[sflag:s9] =	ssyncadd.s32 $0xFFFFBF80  }
0x2b: {  	_ =	sfence.sel $0x180000  }
0x2c: {  	[bflag:$0x0] =	sbarrier.arrive $0xFFFF  }
0x2d: {  	p0 =	sne.s32 s0, $0x0;
	_ =	strace $0x90000047  }
0x2e: {  	s0 =	sadd.s32 @!p0 $0x100000, s1;
	[bflag:$0x2] =	sbarrier.arrive $0xFFFF  }
0x2f: {  	[sflag:s0] =	ssyncadd.tile.s32 @!p0 $0x1;
	_ =	shalt  }
.Lfunc_end2:
_tile_overlayer_lowered:
.L_overlay_start_2:
0x30: {  	(tag) =	ssettag $0x2  }
0x31: {  	s0 =	rddreg [dreg:$0x0];
	s2 =	stileid.u32  }
0x32: {  	s1 =	rddreg [dreg:$0x1];
	p0 =	sne.s32 s2, $0x0  }
0x33: {  	s3 =	rddreg [dreg:$0x2];
	[bflag:$0x3] =	sbarrier.arrive $0xFFFF;
	s2 =	simm.s32 @!p0 $0x1C01  }
0x34: {  	[timem:s3], [sflag:s2] =	dma.local @!p0 [hbm:s0], s1  }
0x35: {  	s0 =	simm.s32 @!p0 $0x1  }
0x36: {  	_ =	swait.ge @!p0 [sflag:s0], s1  }
0x37: {  	s1 =	ssub.s32 @!p0 $0x0, s1;
	[sflag:s0] =	ssyncset.done @!p0 $0x0  }
0x38: {  	[sflag:s0] =	ssyncadd.s32 @!p0 s1  }
0x39: {  	[bflag:$0x3] =	sbarrier.arrive $0xFFFF  }
0x3a: {  	_ =	shalt  }

</sc_bundles>
